<compile_context>
chip_gen: v7x
topology: tpu7x:2x2x1
jax: 0.10.2.dev20260603
libtpu: 0.0.44.dev20260713+nightly
codegen_flags: <defaults>
</compile_context>

<pallas_src>
import jax
import jax.numpy as jnp
from jax import lax
from jax.experimental import pallas as pl
from jax.experimental.pallas import tpu as pltpu
from jax.experimental.pallas import tpu_sc as plsc

E = 320000
D = 128
N = 10000

NC = 2
NS = 16
NW = NC * NS

EPW = E // NW
C = 128
NCH = EPW // C
TAIL = EPW - NCH * C

N_PAD = NS * 640
WB = 632
WB_LAST = N - (NS - 1) * WB


def _sc_body(msg_hbm, idx_hbm, out_hbm,
             idx_a, idx_b, idx_t, rows_a, rows_b, rows_t, acc,
             sem_a, sem_b, sem_t, sem_z):
  c = lax.axis_index("c")
  s = lax.axis_index("s")
  wid = c * NS + s
  base = wid * EPW

  def _start(j, idx_v, rows_v, sem):
    off = base + j * C
    pltpu.async_copy(idx_hbm.at[pl.ds(off, C)], idx_v, sem)
    pltpu.async_copy(msg_hbm.at[pl.ds(off, C)], rows_v, sem)

  def _finish(j, idx_v, rows_v, sem):
    pltpu.make_async_copy(idx_hbm.at[pl.ds(base, C)], idx_v, sem).wait()
    pltpu.make_async_copy(msg_hbm.at[pl.ds(base, C)], rows_v, sem).wait()
    pltpu.sync_copy(rows_v, acc.at[idx_v], add=True)

  zvec = jnp.zeros((16,), jnp.float32)

  def _zero_row(i, _):
    for k in range(D // 16):
      rows_b[i, pl.ds(k * 16, 16)] = zvec
    return 0

  _start(0, idx_a, rows_a, sem_a)
  toff = base + NCH * C
  pltpu.async_copy(idx_hbm.at[pl.ds(toff, TAIL)], idx_t, sem_t)
  pltpu.async_copy(msg_hbm.at[pl.ds(toff, TAIL)], rows_t, sem_t)
  lax.fori_loop(0, C, _zero_row, 0)
  zd = [pltpu.async_copy(rows_b, acc.at[pl.ds(s * (N_PAD // NS) + k * C, C)],
                         sem_z)
        for k in range(N_PAD // NS // C)]
  for d in zd:
    d.wait()

  _start(1, idx_b, rows_b, sem_b)
  plsc.subcore_barrier()

  def _outer(g, _):
    for b, (idx_v, rows_v, sem) in enumerate(
        ((idx_a, rows_a, sem_a), (idx_b, rows_b, sem_b))):
      j = 2 * g + b
      _finish(j, idx_v, rows_v, sem)

      @pl.when(j + 2 < NCH)
      def _():
        _start(j + 2, idx_v, rows_v, sem)
    return 0

  lax.fori_loop(0, NCH // 2, _outer, 0)

  pltpu.make_async_copy(idx_hbm.at[pl.ds(toff, TAIL)], idx_t, sem_t).wait()
  pltpu.make_async_copy(msg_hbm.at[pl.ds(toff, TAIL)], rows_t, sem_t).wait()
  pltpu.sync_copy(rows_t, acc.at[idx_t], add=True)

  plsc.subcore_barrier()

  r0 = s * WB

  @pl.when(s < NS - 1)
  def _():
    pltpu.sync_copy(acc.at[pl.ds(r0, WB)], out_hbm.at[c, pl.ds(r0, WB)])

  @pl.when(s == NS - 1)
  def _():
    pltpu.sync_copy(acc.at[pl.ds((NS - 1) * WB, WB_LAST)],
                    out_hbm.at[c, pl.ds((NS - 1) * WB, WB_LAST)])


@jax.jit
def _sc_partials(msg, idx):
  mesh = plsc.VectorSubcoreMesh(core_axis_name="c", subcore_axis_name="s",
                                num_cores=NC, num_subcores=NS)
  return pl.kernel(
      _sc_body,
      out_type=jax.ShapeDtypeStruct((NC, N, D), jnp.float32),
      mesh=mesh,
      scratch_types=[
          pltpu.VMEM((C,), jnp.int32),
          pltpu.VMEM((C,), jnp.int32),
          pltpu.VMEM((TAIL,), jnp.int32),
          pltpu.VMEM((C, D), jnp.float32),
          pltpu.VMEM((C, D), jnp.float32),
          pltpu.VMEM((TAIL, D), jnp.float32),
          pltpu.VMEM_SHARED((N_PAD, D), jnp.float32),
          pltpu.SemaphoreType.DMA,
          pltpu.SemaphoreType.DMA,
          pltpu.SemaphoreType.DMA,
          pltpu.SemaphoreType.DMA,
      ],
  )(msg, idx)


def _combine_body(p_ref, o_ref):
  o_ref[...] = p_ref[0] + p_ref[1]


@jax.jit
def _tc_combine(partials):
  bn = 5000
  return pl.pallas_call(
      _combine_body,
      out_shape=jax.ShapeDtypeStruct((N, D), jnp.float32),
      grid=(N // bn,),
      in_specs=[pl.BlockSpec((NC, bn, D), lambda i: (0, i, 0))],
      out_specs=pl.BlockSpec((bn, D), lambda i: (i, 0)),
  )(partials)


def kernel(msg, index, t, dim_size):
  del t, dim_size
  idx = index.astype(jnp.int32)
  return _tc_combine(_sc_partials(msg, idx))

# --- scband reference (transcript-rebuilt; emitter-appended) ---
"""Pipeline reference for scband-sum-aggregator-47562467836662 (READ-ONLY COPY).

The authoritative reference and input builder live on the scoring server;
editing this copy changes nothing except your own understanding.
"""

import jax, jax.numpy as jnp
import numpy as np

E = 320000
D = 128
N = 10000

def setup_inputs(seed: int = 0) -> dict:
    key = jax.random.key(seed)
    k1, k2, k3 = jax.random.split(key, 3)
    msg = jax.random.normal(k1, (E, D), dtype=jnp.float32)
    index = jax.random.randint(k2, (E,), 0, N, dtype=jnp.int64)
    t = jax.random.normal(k3, (E,), dtype=jnp.float32)
    return {"msg": msg, "index": index, "t": t, "dim_size": N}

def reference(msg, index, t, dim_size):
    # scatter(msg, index, dim=0, dim_size=dim_size, reduce='sum')
    segment_ids = index + jnp.asarray(dim_size, dtype=index.dtype) * 0
    out = jax.ops.segment_sum(msg, segment_ids, num_segments=N)
    return out

if __name__ == "__main__":
    import jax
    _d = setup_inputs()
    print(jax.jit(kernel)(*tuple(_d.values())))

</pallas_src>

<mosaic_0001>
#map = affine_map<(d0, d1) -> (0, 0)>
#map1 = affine_map<(d0, d1) -> (0)>
#map2 = affine_map<(d0, d1) -> (0, 0, 0)>
module attributes {stable_mosaic.version = 14 : i64} {
  func.func @_sc_body(%arg0: i32, %arg1: i32, %arg2: memref<320000x128xf32, #tpu.memory_space<hbm>>, %arg3: memref<320000xi32, #tpu.memory_space<hbm>>, %arg4: memref<2x10000x128xf32, #tpu.memory_space<hbm>>, %arg5: memref<128xi32, #tpu.memory_space<vmem>>, %arg6: memref<128xi32, #tpu.memory_space<vmem>>, %arg7: memref<16xi32, #tpu.memory_space<vmem>>, %arg8: memref<128x128xf32, #tpu.memory_space<vmem>>, %arg9: memref<128x128xf32, #tpu.memory_space<vmem>>, %arg10: memref<16x128xf32, #tpu.memory_space<vmem>>, %arg11: memref<10240x128xf32, #tpu.memory_space<vmem_shared>>, %arg12: memref<!tpu.dma_semaphore, #tpu.memory_space<semaphore_mem>>, %arg13: memref<!tpu.dma_semaphore, #tpu.memory_space<semaphore_mem>>, %arg14: memref<!tpu.dma_semaphore, #tpu.memory_space<semaphore_mem>>, %arg15: memref<!tpu.dma_semaphore, #tpu.memory_space<semaphore_mem>>) attributes {dimension_semantics = [#tpu.dimension_semantics<core_parallel>, #tpu.dimension_semantics<subcore_parallel>], iteration_bounds = array<i64: 2, 16>, scalar_prefetch = 0 : i64, scratch_operands = 11 : i64, tpu.core_type = #tpu.core_type<sc_vector_subcore>, window_params = [{transform_indices = #map}, {transform_indices = #map1}, {transform_indices = #map2}]} {
    %mul3A = arith.constant 16 : i32
    %mul3A_0 = arith.muli %arg0, %mul3A : i32
    %add3A = arith.addi %mul3A_0, %arg1 : i32
    %mul3A_1 = arith.constant 10000 : i32
    %mul3A_2 = arith.muli %add3A, %mul3A_1 : i32
    %broadcast_in_dim3A = arith.constant 0.000000e+00 : f32
    %broadcast_in_dim3A_3 = vector.broadcast %broadcast_in_dim3A : f32 to vector<16xf32>
    %add3A_4 = arith.constant 0 : i32
    %add3A_5 = arith.addi %mul3A_2, %add3A_4 : i32
    %dma_start3A = tpu.memref_slice %arg3[%add3A_5] : memref<320000xi32, #tpu.memory_space<hbm>> -> memref<128xi32, #tpu.memory_space<hbm>>
    %dma_start3A_6 = tpu.memref_slice %arg3[%add3A_5] : memref<320000xi32, #tpu.memory_space<hbm>> -> memref<128xi32, #tpu.memory_space<hbm>>
    tpu.enqueue_dma source(%dma_start3A_6 : memref<128xi32, #tpu.memory_space<hbm>>) target(%arg5 : memref<128xi32, #tpu.memory_space<vmem>>) target_semaphore(%arg12 : memref<!tpu.dma_semaphore, #tpu.memory_space<semaphore_mem>>)
    %dma_start3A_7 = arith.constant 0 : i32
    %dma_start3A_8 = tpu.memref_slice %arg2[%add3A_5, %dma_start3A_7] : memref<320000x128xf32, #tpu.memory_space<hbm>> -> memref<128x128xf32, #tpu.memory_space<hbm>>
    %dma_start3A_9 = arith.constant 0 : i32
    %dma_start3A_10 = tpu.memref_slice %arg2[%add3A_5, %dma_start3A_9] : memref<320000x128xf32, #tpu.memory_space<hbm>> -> memref<128x128xf32, #tpu.memory_space<hbm>>
    tpu.enqueue_dma source(%dma_start3A_10 : memref<128x128xf32, #tpu.memory_space<hbm>>) target(%arg8 : memref<128x128xf32, #tpu.memory_space<vmem>>) target_semaphore(%arg12 : memref<!tpu.dma_semaphore, #tpu.memory_space<semaphore_mem>>)
    %add3A_11 = arith.constant 9984 : i32
    %add3A_12 = arith.addi %mul3A_2, %add3A_11 : i32
    %dma_start3A_13 = tpu.memref_slice %arg3[%add3A_12] : memref<320000xi32, #tpu.memory_space<hbm>> -> memref<16xi32, #tpu.memory_space<hbm>>
    %dma_start3A_14 = tpu.memref_slice %arg3[%add3A_12] : memref<320000xi32, #tpu.memory_space<hbm>> -> memref<16xi32, #tpu.memory_space<hbm>>
    tpu.enqueue_dma source(%dma_start3A_14 : memref<16xi32, #tpu.memory_space<hbm>>) target(%arg7 : memref<16xi32, #tpu.memory_space<vmem>>) target_semaphore(%arg14 : memref<!tpu.dma_semaphore, #tpu.memory_space<semaphore_mem>>)
    %dma_start3A_15 = arith.constant 0 : i32
    %dma_start3A_16 = tpu.memref_slice %arg2[%add3A_12, %dma_start3A_15] : memref<320000x128xf32, #tpu.memory_space<hbm>> -> memref<16x128xf32, #tpu.memory_space<hbm>>
    %dma_start3A_17 = arith.constant 0 : i32
    %dma_start3A_18 = tpu.memref_slice %arg2[%add3A_12, %dma_start3A_17] : memref<320000x128xf32, #tpu.memory_space<hbm>> -> memref<16x128xf32, #tpu.memory_space<hbm>>
    tpu.enqueue_dma source(%dma_start3A_18 : memref<16x128xf32, #tpu.memory_space<hbm>>) target(%arg10 : memref<16x128xf32, #tpu.memory_space<vmem>>) target_semaphore(%arg14 : memref<!tpu.dma_semaphore, #tpu.memory_space<semaphore_mem>>)
    %scan3A = arith.constant 0 : i32
    %scan3A_19 = arith.constant 0 : i32
    %scan3A_20 = arith.constant 128 : i32
    %scan3A_21 = arith.addi %scan3A_19, %scan3A_20 : i32
    %scan3A_22 = arith.constant 1 : i32
    %scan3A_23 = scf.for %scan3A_114 = %scan3A_19 to %scan3A_21 step %scan3A_22 iter_args(%scan3A_115 = %scan3A) -> (i32)  : i32 {
      %swap3A = arith.index_cast %scan3A_114 : i32 to index
      %swap3A_116 = arith.constant 0 : index
      %swap3A_117 = tpu.vector_load %arg9[%swap3A, %swap3A_116] {strides = array<i32>} : memref<128x128xf32, #tpu.memory_space<vmem>>, vector<1x16xf32>,
      %swap3A_118 = vector.shape_cast %swap3A_117 : vector<1x16xf32> to vector<16xf32>
      %swap3A_119 = vector.shape_cast %broadcast_in_dim3A_3 : vector<16xf32> to vector<1x16xf32>
      tpu.vector_store %arg9[%swap3A, %swap3A_116], %swap3A_119 {strides = array<i32>} : memref<128x128xf32, #tpu.memory_space<vmem>>, vector<1x16xf32>,
      %swap3A_120 = arith.index_cast %scan3A_114 : i32 to index
      %swap3A_121 = arith.constant 16 : index
      %swap3A_122 = tpu.vector_load %arg9[%swap3A_120, %swap3A_121] {strides = array<i32>} : memref<128x128xf32, #tpu.memory_space<vmem>>, vector<1x16xf32>,
      %swap3A_123 = vector.shape_cast %swap3A_122 : vector<1x16xf32> to vector<16xf32>
      %swap3A_124 = vector.shape_cast %broadcast_in_dim3A_3 : vector<16xf32> to vector<1x16xf32>
      tpu.vector_store %arg9[%swap3A_120, %swap3A_121], %swap3A_124 {strides = array<i32>} : memref<128x128xf32, #tpu.memory_space<vmem>>, vector<1x16xf32>,
      %swap3A_125 = arith.index_cast %scan3A_114 : i32 to index
      %swap3A_126 = arith.constant 32 : index
      %swap3A_127 = tpu.vector_load %arg9[%swap3A_125, %swap3A_126] {strides = array<i32>} : memref<128x128xf32, #tpu.memory_space<vmem>>, vector<1x16xf32>,
      %swap3A_128 = vector.shape_cast %swap3A_127 : vector<1x16xf32> to vector<16xf32>
      %swap3A_129 = vector.shape_cast %broadcast_in_dim3A_3 : vector<16xf32> to vector<1x16xf32>
      tpu.vector_store %arg9[%swap3A_125, %swap3A_126], %swap3A_129 {strides = array<i32>} : memref<128x128xf32, #tpu.memory_space<vmem>>, vector<1x16xf32>,
      %swap3A_130 = arith.index_cast %scan3A_114 : i32 to index
      %swap3A_131 = arith.constant 48 : index
      %swap3A_132 = tpu.vector_load %arg9[%swap3A_130, %swap3A_131] {strides = array<i32>} : memref<128x128xf32, #tpu.memory_space<vmem>>, vector<1x16xf32>,
      %swap3A_133 = vector.shape_cast %swap3A_132 : vector<1x16xf32> to vector<16xf32>
      %swap3A_134 = vector.shape_cast %broadcast_in_dim3A_3 : vector<16xf32> to vector<1x16xf32>
      tpu.vector_store %arg9[%swap3A_130, %swap3A_131], %swap3A_134 {strides = array<i32>} : memref<128x128xf32, #tpu.memory_space<vmem>>, vector<1x16xf32>,
      %swap3A_135 = arith.index_cast %scan3A_114 : i32 to index
      %swap3A_136 = arith.constant 64 : index
      %swap3A_137 = tpu.vector_load %arg9[%swap3A_135, %swap3A_136] {strides = array<i32>} : memref<128x128xf32, #tpu.memory_space<vmem>>, vector<1x16xf32>,
      %swap3A_138 = vector.shape_cast %swap3A_137 : vector<1x16xf32> to vector<16xf32>
      %swap3A_139 = vector.shape_cast %broadcast_in_dim3A_3 : vector<16xf32> to vector<1x16xf32>
      tpu.vector_store %arg9[%swap3A_135, %swap3A_136], %swap3A_139 {strides = array<i32>} : memref<128x128xf32, #tpu.memory_space<vmem>>, vector<1x16xf32>,
      %swap3A_140 = arith.index_cast %scan3A_114 : i32 to index
      %swap3A_141 = arith.constant 80 : index
      %swap3A_142 = tpu.vector_load %arg9[%swap3A_140, %swap3A_141] {strides = array<i32>} : memref<128x128xf32, #tpu.memory_space<vmem>>, vector<1x16xf32>,
      %swap3A_143 = vector.shape_cast %swap3A_142 : vector<1x16xf32> to vector<16xf32>
      %swap3A_144 = vector.shape_cast %broadcast_in_dim3A_3 : vector<16xf32> to vector<1x16xf32>
      tpu.vector_store %arg9[%swap3A_140, %swap3A_141], %swap3A_144 {strides = array<i32>} : memref<128x128xf32, #tpu.memory_space<vmem>>, vector<1x16xf32>,
      %swap3A_145 = arith.index_cast %scan3A_114 : i32 to index
      %swap3A_146 = arith.constant 96 : index
      %swap3A_147 = tpu.vector_load %arg9[%swap3A_145, %swap3A_146] {strides = array<i32>} : memref<128x128xf32, #tpu.memory_space<vmem>>, vector<1x16xf32>,
      %swap3A_148 = vector.shape_cast %swap3A_147 : vector<1x16xf32> to vector<16xf32>
      %swap3A_149 = vector.shape_cast %broadcast_in_dim3A_3 : vector<16xf32> to vector<1x16xf32>
      tpu.vector_store %arg9[%swap3A_145, %swap3A_146], %swap3A_149 {strides = array<i32>} : memref<128x128xf32, #tpu.memory_space<vmem>>, vector<1x16xf32>,
      %swap3A_150 = arith.index_cast %scan3A_114 : i32 to index
      %swap3A_151 = arith.constant 112 : index
      %swap3A_152 = tpu.vector_load %arg9[%swap3A_150, %swap3A_151] {strides = array<i32>} : memref<128x128xf32, #tpu.memory_space<vmem>>, vector<1x16xf32>,
      %swap3A_153 = vector.shape_cast %swap3A_152 : vector<1x16xf32> to vector<16xf32>
      %swap3A_154 = vector.shape_cast %broadcast_in_dim3A_3 : vector<16xf32> to vector<1x16xf32>
      tpu.vector_store %arg9[%swap3A_150, %swap3A_151], %swap3A_154 {strides = array<i32>} : memref<128x128xf32, #tpu.memory_space<vmem>>, vector<1x16xf32>,
      %scan3A_155 = arith.constant 0 : i32
      scf.yield %scan3A_155 : i32
    }
    %scan3A_24 = arith.constant 128 : i32
    %mul3A_25 = arith.constant 640 : i32
    %mul3A_26 = arith.muli %arg1, %mul3A_25 : i32
    %add3A_27 = arith.constant 0 : i32
    %add3A_28 = arith.addi %mul3A_26, %add3A_27 : i32
    %dma_start3A_29 = arith.constant 0 : i32
    %dma_start3A_30 = tpu.memref_slice %arg11[%add3A_28, %dma_start3A_29] : memref<10240x128xf32, #tpu.memory_space<vmem_shared>> -> memref<128x128xf32, #tpu.memory_space<vmem_shared>>
    %dma_start3A_31 = arith.constant 0 : i32
    %dma_start3A_32 = tpu.memref_slice %arg11[%add3A_28, %dma_start3A_31] : memref<10240x128xf32, #tpu.memory_space<vmem_shared>> -> memref<128x128xf32, #tpu.memory_space<vmem_shared>>
    tpu.enqueue_dma source(%arg9 : memref<128x128xf32, #tpu.memory_space<vmem>>) target(%dma_start3A_32 : memref<128x128xf32, #tpu.memory_space<vmem_shared>>) target_semaphore(%arg15 : memref<!tpu.dma_semaphore, #tpu.memory_space<semaphore_mem>>)
    %mul3A_33 = arith.constant 640 : i32
    %mul3A_34 = arith.muli %arg1, %mul3A_33 : i32
    %add3A_35 = arith.constant 128 : i32
    %add3A_36 = arith.addi %mul3A_34, %add3A_35 : i32
    %dma_start3A_37 = arith.constant 0 : i32
    %dma_start3A_38 = tpu.memref_slice %arg11[%add3A_36, %dma_start3A_37] : memref<10240x128xf32, #tpu.memory_space<vmem_shared>> -> memref<128x128xf32, #tpu.memory_space<vmem_shared>>
    %dma_start3A_39 = arith.constant 0 : i32
    %dma_start3A_40 = tpu.memref_slice %arg11[%add3A_36, %dma_start3A_39] : memref<10240x128xf32, #tpu.memory_space<vmem_shared>> -> memref<128x128xf32, #tpu.memory_space<vmem_shared>>
    tpu.enqueue_dma source(%arg9 : memref<128x128xf32, #tpu.memory_space<vmem>>) target(%dma_start3A_40 : memref<128x128xf32, #tpu.memory_space<vmem_shared>>) target_semaphore(%arg15 : memref<!tpu.dma_semaphore, #tpu.memory_space<semaphore_mem>>)
    %mul3A_41 = arith.constant 640 : i32
    %mul3A_42 = arith.muli %arg1, %mul3A_41 : i32
    %add3A_43 = arith.constant 256 : i32
    %add3A_44 = arith.addi %mul3A_42, %add3A_43 : i32
    %dma_start3A_45 = arith.constant 0 : i32
    %dma_start3A_46 = tpu.memref_slice %arg11[%add3A_44, %dma_start3A_45] : memref<10240x128xf32, #tpu.memory_space<vmem_shared>> -> memref<128x128xf32, #tpu.memory_space<vmem_shared>>
    %dma_start3A_47 = arith.constant 0 : i32
    %dma_start3A_48 = tpu.memref_slice %arg11[%add3A_44, %dma_start3A_47] : memref<10240x128xf32, #tpu.memory_space<vmem_shared>> -> memref<128x128xf32, #tpu.memory_space<vmem_shared>>
    tpu.enqueue_dma source(%arg9 : memref<128x128xf32, #tpu.memory_space<vmem>>) target(%dma_start3A_48 : memref<128x128xf32, #tpu.memory_space<vmem_shared>>) target_semaphore(%arg15 : memref<!tpu.dma_semaphore, #tpu.memory_space<semaphore_mem>>)
    %mul3A_49 = arith.constant 640 : i32
    %mul3A_50 = arith.muli %arg1, %mul3A_49 : i32
    %add3A_51 = arith.constant 384 : i32
    %add3A_52 = arith.addi %mul3A_50, %add3A_51 : i32
    %dma_start3A_53 = arith.constant 0 : i32
    %dma_start3A_54 = tpu.memref_slice %arg11[%add3A_52, %dma_start3A_53] : memref<10240x128xf32, #tpu.memory_space<vmem_shared>> -> memref<128x128xf32, #tpu.memory_space<vmem_shared>>
    %dma_start3A_55 = arith.constant 0 : i32
    %dma_start3A_56 = tpu.memref_slice %arg11[%add3A_52, %dma_start3A_55] : memref<10240x128xf32, #tpu.memory_space<vmem_shared>> -> memref<128x128xf32, #tpu.memory_space<vmem_shared>>
    tpu.enqueue_dma source(%arg9 : memref<128x128xf32, #tpu.memory_space<vmem>>) target(%dma_start3A_56 : memref<128x128xf32, #tpu.memory_space<vmem_shared>>) target_semaphore(%arg15 : memref<!tpu.dma_semaphore, #tpu.memory_space<semaphore_mem>>)
    %mul3A_57 = arith.constant 640 : i32
    %mul3A_58 = arith.muli %arg1, %mul3A_57 : i32
    %add3A_59 = arith.constant 512 : i32
    %add3A_60 = arith.addi %mul3A_58, %add3A_59 : i32
    %dma_start3A_61 = arith.constant 0 : i32
    %dma_start3A_62 = tpu.memref_slice %arg11[%add3A_60, %dma_start3A_61] : memref<10240x128xf32, #tpu.memory_space<vmem_shared>> -> memref<128x128xf32, #tpu.memory_space<vmem_shared>>
    %dma_start3A_63 = arith.constant 0 : i32
    %dma_start3A_64 = tpu.memref_slice %arg11[%add3A_60, %dma_start3A_63] : memref<10240x128xf32, #tpu.memory_space<vmem_shared>> -> memref<128x128xf32, #tpu.memory_space<vmem_shared>>
    tpu.enqueue_dma source(%arg9 : memref<128x128xf32, #tpu.memory_space<vmem>>) target(%dma_start3A_64 : memref<128x128xf32, #tpu.memory_space<vmem_shared>>) target_semaphore(%arg15 : memref<!tpu.dma_semaphore, #tpu.memory_space<semaphore_mem>>)
    %dma_wait3A = arith.constant 0 : i32
    %dma_wait3A_65 = tpu.memref_slice %arg11[%add3A_28, %dma_wait3A] : memref<10240x128xf32, #tpu.memory_space<vmem_shared>> -> memref<128x128xf32, #tpu.memory_space<vmem_shared>>
    %dma_wait3A_66 = arith.constant 0 : i32
    %dma_wait3A_67 = tpu.memref_slice %arg11[%add3A_28, %dma_wait3A_66] : memref<10240x128xf32, #tpu.memory_space<vmem_shared>> -> memref<128x128xf32, #tpu.memory_space<vmem_shared>>
    tpu.wait_dma2 semaphore(%arg15 : memref<!tpu.dma_semaphore, #tpu.memory_space<semaphore_mem>>) src(%arg9 : memref<128x128xf32, #tpu.memory_space<vmem>>) dst(%dma_wait3A_67 : memref<128x128xf32, #tpu.memory_space<vmem_shared>>)
    %dma_wait3A_68 = arith.constant 0 : i32
    %dma_wait3A_69 = tpu.memref_slice %arg11[%add3A_36, %dma_wait3A_68] : memref<10240x128xf32, #tpu.memory_space<vmem_shared>> -> memref<128x128xf32, #tpu.memory_space<vmem_shared>>
    %dma_wait3A_70 = arith.constant 0 : i32
    %dma_wait3A_71 = tpu.memref_slice %arg11[%add3A_36, %dma_wait3A_70] : memref<10240x128xf32, #tpu.memory_space<vmem_shared>> -> memref<128x128xf32, #tpu.memory_space<vmem_shared>>
    tpu.wait_dma2 semaphore(%arg15 : memref<!tpu.dma_semaphore, #tpu.memory_space<semaphore_mem>>) src(%arg9 : memref<128x128xf32, #tpu.memory_space<vmem>>) dst(%dma_wait3A_71 : memref<128x128xf32, #tpu.memory_space<vmem_shared>>)
    %dma_wait3A_72 = arith.constant 0 : i32
    %dma_wait3A_73 = tpu.memref_slice %arg11[%add3A_44, %dma_wait3A_72] : memref<10240x128xf32, #tpu.memory_space<vmem_shared>> -> memref<128x128xf32, #tpu.memory_space<vmem_shared>>
    %dma_wait3A_74 = arith.constant 0 : i32
    %dma_wait3A_75 = tpu.memref_slice %arg11[%add3A_44, %dma_wait3A_74] : memref<10240x128xf32, #tpu.memory_space<vmem_shared>> -> memref<128x128xf32, #tpu.memory_space<vmem_shared>>
    tpu.wait_dma2 semaphore(%arg15 : memref<!tpu.dma_semaphore, #tpu.memory_space<semaphore_mem>>) src(%arg9 : memref<128x128xf32, #tpu.memory_space<vmem>>) dst(%dma_wait3A_75 : memref<128x128xf32, #tpu.memory_space<vmem_shared>>)
    %dma_wait3A_76 = arith.constant 0 : i32
    %dma_wait3A_77 = tpu.memref_slice %arg11[%add3A_52, %dma_wait3A_76] : memref<10240x128xf32, #tpu.memory_space<vmem_shared>> -> memref<128x128xf32, #tpu.memory_space<vmem_shared>>
    %dma_wait3A_78 = arith.constant 0 : i32
    %dma_wait3A_79 = tpu.memref_slice %arg11[%add3A_52, %dma_wait3A_78] : memref<10240x128xf32, #tpu.memory_space<vmem_shared>> -> memref<128x128xf32, #tpu.memory_space<vmem_shared>>
    tpu.wait_dma2 semaphore(%arg15 : memref<!tpu.dma_semaphore, #tpu.memory_space<semaphore_mem>>) src(%arg9 : memref<128x128xf32, #tpu.memory_space<vmem>>) dst(%dma_wait3A_79 : memref<128x128xf32, #tpu.memory_space<vmem_shared>>)
    %dma_wait3A_80 = arith.constant 0 : i32
    %dma_wait3A_81 = tpu.memref_slice %arg11[%add3A_60, %dma_wait3A_80] : memref<10240x128xf32, #tpu.memory_space<vmem_shared>> -> memref<128x128xf32, #tpu.memory_space<vmem_shared>>
    %dma_wait3A_82 = arith.constant 0 : i32
    %dma_wait3A_83 = tpu.memref_slice %arg11[%add3A_60, %dma_wait3A_82] : memref<10240x128xf32, #tpu.memory_space<vmem_shared>> -> memref<128x128xf32, #tpu.memory_space<vmem_shared>>
    tpu.wait_dma2 semaphore(%arg15 : memref<!tpu.dma_semaphore, #tpu.memory_space<semaphore_mem>>) src(%arg9 : memref<128x128xf32, #tpu.memory_space<vmem>>) dst(%dma_wait3A_83 : memref<128x128xf32, #tpu.memory_space<vmem_shared>>)
    %add3A_84 = arith.constant 128 : i32
    %add3A_85 = arith.addi %mul3A_2, %add3A_84 : i32
    %dma_start3A_86 = tpu.memref_slice %arg3[%add3A_85] : memref<320000xi32, #tpu.memory_space<hbm>> -> memref<128xi32, #tpu.memory_space<hbm>>
    %dma_start3A_87 = tpu.memref_slice %arg3[%add3A_85] : memref<320000xi32, #tpu.memory_space<hbm>> -> memref<128xi32, #tpu.memory_space<hbm>>
    tpu.enqueue_dma source(%dma_start3A_87 : memref<128xi32, #tpu.memory_space<hbm>>) target(%arg6 : memref<128xi32, #tpu.memory_space<vmem>>) target_semaphore(%arg13 : memref<!tpu.dma_semaphore, #tpu.memory_space<semaphore_mem>>)
    %dma_start3A_88 = arith.constant 0 : i32
    %dma_start3A_89 = tpu.memref_slice %arg2[%add3A_85, %dma_start3A_88] : memref<320000x128xf32, #tpu.memory_space<hbm>> -> memref<128x128xf32, #tpu.memory_space<hbm>>
    %dma_start3A_90 = arith.constant 0 : i32
    %dma_start3A_91 = tpu.memref_slice %arg2[%add3A_85, %dma_start3A_90] : memref<320000x128xf32, #tpu.memory_space<hbm>> -> memref<128x128xf32, #tpu.memory_space<hbm>>
    tpu.enqueue_dma source(%dma_start3A_91 : memref<128x128xf32, #tpu.memory_space<hbm>>) target(%arg9 : memref<128x128xf32, #tpu.memory_space<vmem>>) target_semaphore(%arg13 : memref<!tpu.dma_semaphore, #tpu.memory_space<semaphore_mem>>)
    %barrier3A = arith.constant 0 : index
    tpu.barrier barrier_id(%barrier3A)
    %scan3A_92 = arith.constant 0 : i32
    %scan3A_93 = arith.constant 0 : i32
    %scan3A_94 = arith.constant 39 : i32
    %scan3A_95 = arith.addi %scan3A_93, %scan3A_94 : i32
    %scan3A_96 = arith.constant 1 : i32
    %scan3A_97 = scf.for %scan3A_114 = %scan3A_93 to %scan3A_95 step %scan3A_96 iter_args(%scan3A_115 = %scan3A_92) -> (i32)  : i32 {
      %mul3A_116 = arith.constant 2 : i32
      %mul3A_117 = arith.muli %mul3A_116, %scan3A_114 : i32
      %add3A_118 = arith.constant 0 : i32
      %add3A_119 = arith.addi %mul3A_117, %add3A_118 : i32
      %dma_wait3A_120 = tpu.memref_slice %arg3[%mul3A_2] : memref<320000xi32, #tpu.memory_space<hbm>> -> memref<128xi32, #tpu.memory_space<hbm>>
      %dma_wait3A_121 = tpu.memref_slice %arg3[%mul3A_2] : memref<320000xi32, #tpu.memory_space<hbm>> -> memref<128xi32, #tpu.memory_space<hbm>>
      tpu.wait_dma2 semaphore(%arg12 : memref<!tpu.dma_semaphore, #tpu.memory_space<semaphore_mem>>) src(%dma_wait3A_121 : memref<128xi32, #tpu.memory_space<hbm>>) dst(%arg5 : memref<128xi32, #tpu.memory_space<vmem>>)
      %dma_wait3A_122 = arith.constant 0 : i32
      %dma_wait3A_123 = tpu.memref_slice %arg2[%mul3A_2, %dma_wait3A_122] : memref<320000x128xf32, #tpu.memory_space<hbm>> -> memref<128x128xf32, #tpu.memory_space<hbm>>
      %dma_wait3A_124 = arith.constant 0 : i32
      %dma_wait3A_125 = tpu.memref_slice %arg2[%mul3A_2, %dma_wait3A_124] : memref<320000x128xf32, #tpu.memory_space<hbm>> -> memref<128x128xf32, #tpu.memory_space<hbm>>
      tpu.wait_dma2 semaphore(%arg12 : memref<!tpu.dma_semaphore, #tpu.memory_space<semaphore_mem>>) src(%dma_wait3A_125 : memref<128x128xf32, #tpu.memory_space<hbm>>) dst(%arg8 : memref<128x128xf32, #tpu.memory_space<vmem>>)
      "tpu.region"() ({
        %run_scoped3A = tpu.sem_alloc : memref<!tpu.dma_semaphore, #tpu.memory_space<semaphore_mem>>
        %dma_start3A_151 = arith.constant 0 : i32
        %dma_start3A_152 = arith.constant 0 : i32
        %dma_start3A_153 = tpu.memref_slice %arg11[%dma_start3A_151, %dma_start3A_152] : memref<10240x128xf32, #tpu.memory_space<vmem_shared>> -> memref<10240x128xf32, #tpu.memory_space<vmem_shared>>
        tpu.enqueue_indirect_dma source(%arg8 : memref<128x128xf32, #tpu.memory_space<vmem>>) target(%dma_start3A_153 : memref<10240x128xf32, #tpu.memory_space<vmem_shared>>) offsets(%arg5 : memref<128xi32, #tpu.memory_space<vmem>>) semaphore(%run_scoped3A : memref<!tpu.dma_semaphore, #tpu.memory_space<semaphore_mem>>) {add = true}
        %dma_wait3A_154 = arith.constant 0 : i32
        %dma_wait3A_155 = arith.constant 0 : i32
        %dma_wait3A_156 = tpu.memref_slice %arg11[%dma_wait3A_154, %dma_wait3A_155] : memref<10240x128xf32, #tpu.memory_space<vmem_shared>> -> memref<10240x128xf32, #tpu.memory_space<vmem_shared>>
        tpu.wait_indirect_dma semaphore(%run_scoped3A : memref<!tpu.dma_semaphore, #tpu.memory_space<semaphore_mem>>) src(%arg8 : memref<128x128xf32, #tpu.memory_space<vmem>>) dst(%dma_wait3A_156 : memref<10240x128xf32, #tpu.memory_space<vmem_shared>>)
        tpu.yield
      }) : () -> ()
      %add3A_126 = arith.constant 2 : i32
      %add3A_127 = arith.addi %add3A_119, %add3A_126 : i32
      %lt3A_128 = arith.constant 78 : i32
      %lt3A_129 = arith.cmpi slt, %add3A_127, %lt3A_128 : i32
      %convert_element_type3A_130 = arith.extui %lt3A_129 : i1 to i32
      %cond3A_131 = arith.constant 0 : i32
      %cond3A_132 = arith.cmpi ne, %convert_element_type3A_130, %cond3A_131 : i32
      scf.if %cond3A_132 {
        %add3A_151 = arith.constant 2 : i32
        %add3A_152 = arith.addi %add3A_119, %add3A_151 : i32
        %mul3A_153 = arith.constant 128 : i32
        %mul3A_154 = arith.muli %add3A_152, %mul3A_153 : i32
        %add3A_155 = arith.addi %mul3A_2, %mul3A_154 : i32
        %dma_start3A_156 = tpu.memref_slice %arg3[%add3A_155] : memref<320000xi32, #tpu.memory_space<hbm>> -> memref<128xi32, #tpu.memory_space<hbm>>
        %dma_start3A_157 = tpu.memref_slice %arg3[%add3A_155] : memref<320000xi32, #tpu.memory_space<hbm>> -> memref<128xi32, #tpu.memory_space<hbm>>
        tpu.enqueue_dma source(%dma_start3A_157 : memref<128xi32, #tpu.memory_space<hbm>>) target(%arg5 : memref<128xi32, #tpu.memory_space<vmem>>) target_semaphore(%arg12 : memref<!tpu.dma_semaphore, #tpu.memory_space<semaphore_mem>>)
        %dma_start3A_158 = arith.constant 0 : i32
        %dma_start3A_159 = tpu.memref_slice %arg2[%add3A_155, %dma_start3A_158] : memref<320000x128xf32, #tpu.memory_space<hbm>> -> memref<128x128xf32, #tpu.memory_space<hbm>>
        %dma_start3A_160 = arith.constant 0 : i32
        %dma_start3A_161 = tpu.memref_slice %arg2[%add3A_155, %dma_start3A_160] : memref<320000x128xf32, #tpu.memory_space<hbm>> -> memref<128x128xf32, #tpu.memory_space<hbm>>
        tpu.enqueue_dma source(%dma_start3A_161 : memref<128x128xf32, #tpu.memory_space<hbm>>) target(%arg8 : memref<128x128xf32, #tpu.memory_space<vmem>>) target_semaphore(%arg12 : memref<!tpu.dma_semaphore, #tpu.memory_space<semaphore_mem>>)
      } else {
      }
      %mul3A_133 = arith.constant 2 : i32
      %mul3A_134 = arith.muli %mul3A_133, %scan3A_114 : i32
      %add3A_135 = arith.constant 1 : i32
      %add3A_136 = arith.addi %mul3A_134, %add3A_135 : i32
      %dma_wait3A_137 = tpu.memref_slice %arg3[%mul3A_2] : memref<320000xi32, #tpu.memory_space<hbm>> -> memref<128xi32, #tpu.memory_space<hbm>>
      %dma_wait3A_138 = tpu.memref_slice %arg3[%mul3A_2] : memref<320000xi32, #tpu.memory_space<hbm>> -> memref<128xi32, #tpu.memory_space<hbm>>
      tpu.wait_dma2 semaphore(%arg13 : memref<!tpu.dma_semaphore, #tpu.memory_space<semaphore_mem>>) src(%dma_wait3A_138 : memref<128xi32, #tpu.memory_space<hbm>>) dst(%arg6 : memref<128xi32, #tpu.memory_space<vmem>>)
      %dma_wait3A_139 = arith.constant 0 : i32
      %dma_wait3A_140 = tpu.memref_slice %arg2[%mul3A_2, %dma_wait3A_139] : memref<320000x128xf32, #tpu.memory_space<hbm>> -> memref<128x128xf32, #tpu.memory_space<hbm>>
      %dma_wait3A_141 = arith.constant 0 : i32
      %dma_wait3A_142 = tpu.memref_slice %arg2[%mul3A_2, %dma_wait3A_141] : memref<320000x128xf32, #tpu.memory_space<hbm>> -> memref<128x128xf32, #tpu.memory_space<hbm>>
      tpu.wait_dma2 semaphore(%arg13 : memref<!tpu.dma_semaphore, #tpu.memory_space<semaphore_mem>>) src(%dma_wait3A_142 : memref<128x128xf32, #tpu.memory_space<hbm>>) dst(%arg9 : memref<128x128xf32, #tpu.memory_space<vmem>>)
      "tpu.region"() ({
        %run_scoped3A = tpu.sem_alloc : memref<!tpu.dma_semaphore, #tpu.memory_space<semaphore_mem>>
        %dma_start3A_151 = arith.constant 0 : i32
        %dma_start3A_152 = arith.constant 0 : i32
        %dma_start3A_153 = tpu.memref_slice %arg11[%dma_start3A_151, %dma_start3A_152] : memref<10240x128xf32, #tpu.memory_space<vmem_shared>> -> memref<10240x128xf32, #tpu.memory_space<vmem_shared>>
        tpu.enqueue_indirect_dma source(%arg9 : memref<128x128xf32, #tpu.memory_space<vmem>>) target(%dma_start3A_153 : memref<10240x128xf32, #tpu.memory_space<vmem_shared>>) offsets(%arg6 : memref<128xi32, #tpu.memory_space<vmem>>) semaphore(%run_scoped3A : memref<!tpu.dma_semaphore, #tpu.memory_space<semaphore_mem>>) {add = true}
        %dma_wait3A_154 = arith.constant 0 : i32
        %dma_wait3A_155 = arith.constant 0 : i32
        %dma_wait3A_156 = tpu.memref_slice %arg11[%dma_wait3A_154, %dma_wait3A_155] : memref<10240x128xf32, #tpu.memory_space<vmem_shared>> -> memref<10240x128xf32, #tpu.memory_space<vmem_shared>>
        tpu.wait_indirect_dma semaphore(%run_scoped3A : memref<!tpu.dma_semaphore, #tpu.memory_space<semaphore_mem>>) src(%arg9 : memref<128x128xf32, #tpu.memory_space<vmem>>) dst(%dma_wait3A_156 : memref<10240x128xf32, #tpu.memory_space<vmem_shared>>)
        tpu.yield
      }) : () -> ()
      %add3A_143 = arith.constant 2 : i32
      %add3A_144 = arith.addi %add3A_136, %add3A_143 : i32
      %lt3A_145 = arith.constant 78 : i32
      %lt3A_146 = arith.cmpi slt, %add3A_144, %lt3A_145 : i32
      %convert_element_type3A_147 = arith.extui %lt3A_146 : i1 to i32
      %cond3A_148 = arith.constant 0 : i32
      %cond3A_149 = arith.cmpi ne, %convert_element_type3A_147, %cond3A_148 : i32
      scf.if %cond3A_149 {
        %add3A_151 = arith.constant 2 : i32
        %add3A_152 = arith.addi %add3A_136, %add3A_151 : i32
        %mul3A_153 = arith.constant 128 : i32
        %mul3A_154 = arith.muli %add3A_152, %mul3A_153 : i32
        %add3A_155 = arith.addi %mul3A_2, %mul3A_154 : i32
        %dma_start3A_156 = tpu.memref_slice %arg3[%add3A_155] : memref<320000xi32, #tpu.memory_space<hbm>> -> memref<128xi32, #tpu.memory_space<hbm>>
        %dma_start3A_157 = tpu.memref_slice %arg3[%add3A_155] : memref<320000xi32, #tpu.memory_space<hbm>> -> memref<128xi32, #tpu.memory_space<hbm>>
        tpu.enqueue_dma source(%dma_start3A_157 : memref<128xi32, #tpu.memory_space<hbm>>) target(%arg6 : memref<128xi32, #tpu.memory_space<vmem>>) target_semaphore(%arg13 : memref<!tpu.dma_semaphore, #tpu.memory_space<semaphore_mem>>)
        %dma_start3A_158 = arith.constant 0 : i32
        %dma_start3A_159 = tpu.memref_slice %arg2[%add3A_155, %dma_start3A_158] : memref<320000x128xf32, #tpu.memory_space<hbm>> -> memref<128x128xf32, #tpu.memory_space<hbm>>
        %dma_start3A_160 = arith.constant 0 : i32
        %dma_start3A_161 = tpu.memref_slice %arg2[%add3A_155, %dma_start3A_160] : memref<320000x128xf32, #tpu.memory_space<hbm>> -> memref<128x128xf32, #tpu.memory_space<hbm>>
        tpu.enqueue_dma source(%dma_start3A_161 : memref<128x128xf32, #tpu.memory_space<hbm>>) target(%arg9 : memref<128x128xf32, #tpu.memory_space<vmem>>) target_semaphore(%arg13 : memref<!tpu.dma_semaphore, #tpu.memory_space<semaphore_mem>>)
      } else {
      }
      %scan3A_150 = arith.constant 0 : i32
      scf.yield %scan3A_150 : i32
    }
    %scan3A_98 = arith.constant 39 : i32
    %dma_wait3A_99 = tpu.memref_slice %arg3[%add3A_12] : memref<320000xi32, #tpu.memory_space<hbm>> -> memref<16xi32, #tpu.memory_space<hbm>>
    %dma_wait3A_100 = tpu.memref_slice %arg3[%add3A_12] : memref<320000xi32, #tpu.memory_space<hbm>> -> memref<16xi32, #tpu.memory_space<hbm>>
    tpu.wait_dma2 semaphore(%arg14 : memref<!tpu.dma_semaphore, #tpu.memory_space<semaphore_mem>>) src(%dma_wait3A_100 : memref<16xi32, #tpu.memory_space<hbm>>) dst(%arg7 : memref<16xi32, #tpu.memory_space<vmem>>)
    %dma_wait3A_101 = arith.constant 0 : i32
    %dma_wait3A_102 = tpu.memref_slice %arg2[%add3A_12, %dma_wait3A_101] : memref<320000x128xf32, #tpu.memory_space<hbm>> -> memref<16x128xf32, #tpu.memory_space<hbm>>
    %dma_wait3A_103 = arith.constant 0 : i32
    %dma_wait3A_104 = tpu.memref_slice %arg2[%add3A_12, %dma_wait3A_103] : memref<320000x128xf32, #tpu.memory_space<hbm>> -> memref<16x128xf32, #tpu.memory_space<hbm>>
    tpu.wait_dma2 semaphore(%arg14 : memref<!tpu.dma_semaphore, #tpu.memory_space<semaphore_mem>>) src(%dma_wait3A_104 : memref<16x128xf32, #tpu.memory_space<hbm>>) dst(%arg10 : memref<16x128xf32, #tpu.memory_space<vmem>>)
    "tpu.region"() ({
      %run_scoped3A = tpu.sem_alloc : memref<!tpu.dma_semaphore, #tpu.memory_space<semaphore_mem>>
      %dma_start3A_114 = arith.constant 0 : i32
      %dma_start3A_115 = arith.constant 0 : i32
      %dma_start3A_116 = tpu.memref_slice %arg11[%dma_start3A_114, %dma_start3A_115] : memref<10240x128xf32, #tpu.memory_space<vmem_shared>> -> memref<10240x128xf32, #tpu.memory_space<vmem_shared>>
      tpu.enqueue_indirect_dma source(%arg10 : memref<16x128xf32, #tpu.memory_space<vmem>>) target(%dma_start3A_116 : memref<10240x128xf32, #tpu.memory_space<vmem_shared>>) offsets(%arg7 : memref<16xi32, #tpu.memory_space<vmem>>) semaphore(%run_scoped3A : memref<!tpu.dma_semaphore, #tpu.memory_space<semaphore_mem>>) {add = true}
      %dma_wait3A_117 = arith.constant 0 : i32
      %dma_wait3A_118 = arith.constant 0 : i32
      %dma_wait3A_119 = tpu.memref_slice %arg11[%dma_wait3A_117, %dma_wait3A_118] : memref<10240x128xf32, #tpu.memory_space<vmem_shared>> -> memref<10240x128xf32, #tpu.memory_space<vmem_shared>>
      tpu.wait_indirect_dma semaphore(%run_scoped3A : memref<!tpu.dma_semaphore, #tpu.memory_space<semaphore_mem>>) src(%arg10 : memref<16x128xf32, #tpu.memory_space<vmem>>) dst(%dma_wait3A_119 : memref<10240x128xf32, #tpu.memory_space<vmem_shared>>)
      tpu.yield
    }) : () -> ()
    %barrier3A_105 = arith.constant 0 : index
    tpu.barrier barrier_id(%barrier3A_105)
    %mul3A_106 = arith.constant 632 : i32
    %mul3A_107 = arith.muli %arg1, %mul3A_106 : i32
    %lt3A = arith.constant 15 : i32
    %lt3A_108 = arith.cmpi slt, %arg1, %lt3A : i32
    %convert_element_type3A = arith.extui %lt3A_108 : i1 to i32
    %cond3A = arith.constant 0 : i32
    %cond3A_109 = arith.cmpi ne, %convert_element_type3A, %cond3A : i32
    scf.if %cond3A_109 {
      "tpu.region"() ({
        %run_scoped3A = tpu.sem_alloc : memref<!tpu.dma_semaphore, #tpu.memory_space<semaphore_mem>>
        %dma_start3A_114 = arith.constant 0 : i32
        %dma_start3A_115 = tpu.memref_slice %arg4[%arg0, %mul3A_107, %dma_start3A_114] : memref<2x10000x128xf32, #tpu.memory_space<hbm>> -> memref<1x632x128xf32, #tpu.memory_space<hbm>>
        %dma_start3A_116 = tpu.memref_squeeze %dma_start3A_115 : memref<1x632x128xf32, #tpu.memory_space<hbm>> -> memref<632x128xf32, #tpu.memory_space<hbm>>
        %dma_start3A_117 = arith.constant 0 : i32
        %dma_start3A_118 = tpu.memref_slice %arg11[%mul3A_107, %dma_start3A_117] : memref<10240x128xf32, #tpu.memory_space<vmem_shared>> -> memref<632x128xf32, #tpu.memory_space<vmem_shared>>
        tpu.enqueue_dma source(%dma_start3A_118 : memref<632x128xf32, #tpu.memory_space<vmem_shared>>) target(%dma_start3A_116 : memref<632x128xf32, #tpu.memory_space<hbm>>) target_semaphore(%run_scoped3A : memref<!tpu.dma_semaphore, #tpu.memory_space<semaphore_mem>>)
        %dma_wait3A_119 = arith.constant 0 : i32
        %dma_wait3A_120 = tpu.memref_slice %arg4[%arg0, %mul3A_107, %dma_wait3A_119] : memref<2x10000x128xf32, #tpu.memory_space<hbm>> -> memref<1x632x128xf32, #tpu.memory_space<hbm>>
        %dma_wait3A_121 = tpu.memref_squeeze %dma_wait3A_120 : memref<1x632x128xf32, #tpu.memory_space<hbm>> -> memref<632x128xf32, #tpu.memory_space<hbm>>
        %dma_wait3A_122 = arith.constant 0 : i32
        %dma_wait3A_123 = tpu.memref_slice %arg11[%mul3A_107, %dma_wait3A_122] : memref<10240x128xf32, #tpu.memory_space<vmem_shared>> -> memref<632x128xf32, #tpu.memory_space<vmem_shared>>
        tpu.wait_dma2 semaphore(%run_scoped3A : memref<!tpu.dma_semaphore, #tpu.memory_space<semaphore_mem>>) src(%dma_wait3A_123 : memref<632x128xf32, #tpu.memory_space<vmem_shared>>) dst(%dma_wait3A_121 : memref<632x128xf32, #tpu.memory_space<hbm>>)
        tpu.yield
      }) : () -> ()
    } else {
    }
    %eq3A = arith.constant 15 : i32
    %eq3A_110 = arith.cmpi eq, %arg1, %eq3A : i32
    %convert_element_type3A_111 = arith.extui %eq3A_110 : i1 to i32
    %cond3A_112 = arith.constant 0 : i32
    %cond3A_113 = arith.cmpi ne, %convert_element_type3A_111, %cond3A_112 : i32
    scf.if %cond3A_113 {
      "tpu.region"() ({
        %run_scoped3A = tpu.sem_alloc : memref<!tpu.dma_semaphore, #tpu.memory_space<semaphore_mem>>
        %dma_start3A_114 = arith.constant 9480 : i32
        %dma_start3A_115 = arith.constant 0 : i32
        %dma_start3A_116 = tpu.memref_slice %arg4[%arg0, %dma_start3A_114, %dma_start3A_115] : memref<2x10000x128xf32, #tpu.memory_space<hbm>> -> memref<1x520x128xf32, #tpu.memory_space<hbm>>
        %dma_start3A_117 = tpu.memref_squeeze %dma_start3A_116 : memref<1x520x128xf32, #tpu.memory_space<hbm>> -> memref<520x128xf32, #tpu.memory_space<hbm>>
        %dma_start3A_118 = arith.constant 9480 : i32
        %dma_start3A_119 = arith.constant 0 : i32
        %dma_start3A_120 = tpu.memref_slice %arg11[%dma_start3A_118, %dma_start3A_119] : memref<10240x128xf32, #tpu.memory_space<vmem_shared>> -> memref<520x128xf32, #tpu.memory_space<vmem_shared>>
        tpu.enqueue_dma source(%dma_start3A_120 : memref<520x128xf32, #tpu.memory_space<vmem_shared>>) target(%dma_start3A_117 : memref<520x128xf32, #tpu.memory_space<hbm>>) target_semaphore(%run_scoped3A : memref<!tpu.dma_semaphore, #tpu.memory_space<semaphore_mem>>)
        %dma_wait3A_121 = arith.constant 9480 : i32
        %dma_wait3A_122 = arith.constant 0 : i32
        %dma_wait3A_123 = tpu.memref_slice %arg4[%arg0, %dma_wait3A_121, %dma_wait3A_122] : memref<2x10000x128xf32, #tpu.memory_space<hbm>> -> memref<1x520x128xf32, #tpu.memory_space<hbm>>
        %dma_wait3A_124 = tpu.memref_squeeze %dma_wait3A_123 : memref<1x520x128xf32, #tpu.memory_space<hbm>> -> memref<520x128xf32, #tpu.memory_space<hbm>>
        %dma_wait3A_125 = arith.constant 9480 : i32
        %dma_wait3A_126 = arith.constant 0 : i32
        %dma_wait3A_127 = tpu.memref_slice %arg11[%dma_wait3A_125, %dma_wait3A_126] : memref<10240x128xf32, #tpu.memory_space<vmem_shared>> -> memref<520x128xf32, #tpu.memory_space<vmem_shared>>
        tpu.wait_dma2 semaphore(%run_scoped3A : memref<!tpu.dma_semaphore, #tpu.memory_space<semaphore_mem>>) src(%dma_wait3A_127 : memref<520x128xf32, #tpu.memory_space<vmem_shared>>) dst(%dma_wait3A_124 : memref<520x128xf32, #tpu.memory_space<hbm>>)
        tpu.yield
      }) : () -> ()
    } else {
    }
    return
  }
}

</mosaic_0001>

<sc_bundles>
// kernel: _sc_partials.3.cloned.1.call-start
scs
__scs_entry_jumppad:
0x0: {  	(pc) =	sbr.rel $0x88, $3  }
0x1: {  	(tag) =	ssettag $0x0;
	lr =	simm.s32 $0x1  }
0x2: {  	[smem:$0x3F9F] =	sst lr;
	_ =	strace $0xD0000000  }
0x3: {  	_ = 	snop  }
0x4: {  	_ = 	snop  }
0x5: {  	_ = 	snop  }
0x6: {  	_ = 	snop  }
0x7: {  	_ = 	snop  }
__scs_overlays_trampoline_lowered:
0x8: {  	[smem:$0x3FAE] =	sst s0  }
0x9: {  	[smem:$0x3FAF] =	sst s1  }
0xa: {  	[smem:$0x3FB0] =	sst s2  }
0xb: {  	[smem:$0x3FB1] =	sst s3  }
0xc: {  	[smem:$0x3FB2] =	sst s4  }
0xd: {  	[smem:$0x3FB3] =	sst s5  }
0xe: {  	[smem:$0x3FB4] =	sst s6  }
0xf: {  	[smem:$0x3FB5] =	sst s7  }
0x10: {  	[smem:$0x3FB6] =	sst s8  }
0x11: {  	[smem:$0x3FB7] =	sst s9;
	s0 =	simm.s32 @!p0 $0x0  }
0x12: {  	s1 =	sld [smem:$0x3F9D];
	s0 =	simm.s32 @p0 $0x1  }
0x13: {  	[smem:$0x3FB8] =	sst s0;
	s0 =	simm.s32 @!p1 $0x0  }
0x14: {  	s2 =	sld [smem:$0x3F9C];
	s0 =	simm.s32 @p1 $0x1  }
0x15: {  	[smem:$0x3FB9] =	sst s0;
	s0 =	simm.s32 @!p2 $0x0  }
0x16: {  	s3 =	sld [smem:$0x3FDB];
	s0 =	simm.s32 @p2 $0x1  }
0x17: {  	s4 =	simm.s32 $0x1BF5;
	[smem:$0x3FBB] =	sst s0  }
0x18: {  	s0 =	sld [smem:$0x3F9E];
	_ =	swait.ge [sflag:s4], $0x0  }
0x19: {  	s7 =	sld [smem:$0x3F9F]  }
0x1a: {  	s8 =	sadd.s32 $0xFFFFE003, lr  }
0x1b: {  	s9 =	sadd.s32 $0xFFFFFEF7, lr;
	s5 =	simm.s32 $0xFFFFFFFF;
	p2 =	slt.u32 s8, $0xFFFFF086  }
0x1c: {  	p1 =	slt.u32 s9, $0xF7A;
	s5 =	simm.s32 @!p2 $0x0  }
0x1d: {  	s5 =	simm.s32 @p1 $0x1;
	p0 =	seq.s32 s7, s2  }
0x1e: {  	s7 =	smul.u32 @!p0 $0xF7A, s2;
	p2 =	seq.s32 @!p0 s5, $0x0  }
0x1f: {  	s9 =	smul.u32 $0xF7A, s1;
	s8 =	simm.s32 @!p0 $0x1BF5;
	p2 =	por !p2, p0  }
0x20: {  	[sflag:s8] =	ssyncset.s32 @!p0 $0xFFFFF086;
	s6 =	sadd.s32 @!p0 s3, s7;
	s7 =	simm.s32 @!p0 $0x108  }
0x21: {  	s3 =	sadd.s32 s3, s9;
	s6 =	sadd.s32 @!p0 $0x88, s6;
	s7 =	simm.s32 @p2 $0x1082  }
0x22: {  	[simem:s7], [sflag:s8] =	dma.local @!p0 [hbm:s6], $0xF7A  }
0x23: {  	s9 =	sor.u32 $0xD0000000, s2;
	s6 =	simm.s32 $0x108;
	_ =	swait.ge @!p0 [sflag:s8], $0x0  }
0x24: {  	s3 =	sadd.s32 $0x88, s3;
	s6 =	simm.s32 @!p1 $0x1082;
	[sflag:s4] =	ssyncset.s32 $0xFFFFF086  }
0x25: {  	[simem:s6], [sflag:s4] =	dma.local [hbm:s3], $0xF7A  }
0x26: {  	[smem:$0x3F9F] =	sst s1;
	(tag) =	ssettag s2;
	_ =	strace s9  }
0x27: {  	s1 =	sld [smem:$0x3FAF]  }
0x28: {  	s2 =	sld [smem:$0x3FB0]  }
0x29: {  	s4 =	sld [smem:$0x3FB2]  }
0x2a: {  	p0 =	seq.s32 s5, $0x0;
	s5 =	sld [smem:$0x3FB3]  }
0x2b: {  	s6 =	sld [smem:$0x3FB4]  }
0x2c: {  	s7 =	sld [smem:$0x3FB5]  }
0x2d: {  	s3 =	simm.s32 $0x108;
	s8 =	sld [smem:$0x3FB6]  }
0x2e: {  	s3 =	simm.s32 @!p0 $0x1082;
	s9 =	sld [smem:$0x3FB7]  }
0x2f: {  	lr =	sadd.s32 s0, s3;
	s0 =	sld [smem:$0x3FAE]  }
0x30: {  	s3 =	sld [smem:$0x3FB1]  }
0x31: {  	[smem:$0x3FBA] =	sst s10  }
0x32: {  	s10 =	sld [smem:$0x3FB8];
	_ =	sdelay $0x3  }
0x33: {  	p0 =	seq.s32 s10, $0x1;
	s10 =	sld [smem:$0x3FBA];
	_ =	sdelay $0x3  }
0x34: {  	[smem:$0x3FBA] =	sst s10  }
0x35: {  	s10 =	sld [smem:$0x3FB9];
	_ =	sdelay $0x3  }
0x36: {  	p1 =	seq.s32 s10, $0x1;
	s10 =	sld [smem:$0x3FBA];
	_ =	sdelay $0x3  }
0x37: {  	[smem:$0x3FBA] =	sst s10  }
0x38: {  	s10 =	sld [smem:$0x3FBB]  }
0x39: {  	_ = 	snop;
	(pc) =	sbr.ind lr, $3  }
0x3a: {  	_ = 	snop  }
0x3b: {  	_ = 	snop  }
0x3c: {  	p2 =	seq.s32 s10, $0x1;
	s10 =	sld [smem:$0x3FBA]  }
0x3d: {  	_ =	shalt  }
0x3e: {  	_ =	shalt  }
0x3f: {  	_ =	shalt  }
0x40: {  	_ =	shalt  }
0x41: {  	_ =	shalt  }
0x42: {  	_ =	shalt  }
0x43: {  	_ =	shalt  }
0x44: {  	_ =	shalt  }
0x45: {  	_ =	shalt  }
0x46: {  	_ =	shalt  }
0x47: {  	_ =	shalt  }
0x48: {  	_ =	shalt  }
0x49: {  	_ =	shalt  }
0x4a: {  	_ =	shalt  }
0x4b: {  	_ =	shalt  }
0x4c: {  	_ =	shalt  }
0x4d: {  	_ =	shalt  }
0x4e: {  	_ =	shalt  }
0x4f: {  	_ =	shalt  }
0x50: {  	_ =	shalt  }
0x51: {  	_ =	shalt  }
0x52: {  	_ =	shalt  }
0x53: {  	_ =	shalt  }
0x54: {  	_ =	shalt  }
0x55: {  	_ =	shalt  }
0x56: {  	_ =	shalt  }
0x57: {  	_ =	shalt  }
0x58: {  	_ =	shalt  }
0x59: {  	_ =	shalt  }
0x5a: {  	_ =	shalt  }
0x5b: {  	_ =	shalt  }
0x5c: {  	_ =	shalt  }
0x5d: {  	_ =	shalt  }
0x5e: {  	_ =	shalt  }
0x5f: {  	_ =	shalt  }
0x60: {  	_ =	shalt  }
0x61: {  	_ =	shalt  }
0x62: {  	_ =	shalt  }
0x63: {  	_ =	shalt  }
0x64: {  	_ =	shalt  }
0x65: {  	_ =	shalt  }
0x66: {  	_ =	shalt  }
0x67: {  	_ =	shalt  }
0x68: {  	_ =	shalt  }
0x69: {  	_ =	shalt  }
0x6a: {  	_ =	shalt  }
0x6b: {  	_ =	shalt  }
0x6c: {  	_ =	shalt  }
0x6d: {  	_ =	shalt  }
0x6e: {  	_ =	shalt  }
0x6f: {  	_ =	shalt  }
0x70: {  	_ =	shalt  }
0x71: {  	_ =	shalt  }
0x72: {  	_ =	shalt  }
0x73: {  	_ =	shalt  }
0x74: {  	_ =	shalt  }
0x75: {  	_ =	shalt  }
0x76: {  	_ =	shalt  }
0x77: {  	_ =	shalt  }
0x78: {  	_ =	shalt  }
0x79: {  	_ =	shalt  }
0x7a: {  	_ =	shalt  }
0x7b: {  	_ =	shalt  }
0x7c: {  	_ =	shalt  }
0x7d: {  	_ =	shalt  }
0x7e: {  	_ =	shalt  }
0x7f: {  	_ =	shalt  }
0x80: {  	_ =	shalt  }
0x81: {  	_ =	shalt  }
0x82: {  	_ =	shalt  }
0x83: {  	_ =	shalt  }
0x84: {  	_ =	shalt  }
0x85: {  	_ =	shalt  }
0x86: {  	_ =	shalt  }
0x87: {  	_ =	shalt  }
.Lfunc_end0:
.L_simem_size_0:
called_computation_lowered:
.L_overlay_start_0:
0x88: {  	s2 =	sld [smem:$0x3FD9]  }
0x89: {  	s3 =	sld [smem:$0x3FFE];
	_ =	sdelay $0x1  }
0x8a: {  	s1 =	srdreg.scid  }
0x8b: {  	s0 =	sand.u32 $0x1, s1  }
0x8c: {  	s18 =	sshll.u32 s0, $0xA;
	s2 =	sadd.s32 s3, s2  }
0x8d: {  	s2 =	sadd.s32 s2, s18  }
0x8e: {  	[smem:$0x3FC6] =	sst s2  }
0x8f: {  	_ = 	snop  }
0x90: {  	s2 =	sld [smem:$0x3FC9]  }
0x91: {  	s19 =	sld [smem:$0x3FC8]  }
0x92: {  	s4 =	sld [smem:$0x3FD0];
	(tm) =	ssettm $0x1  }
0x93: {  	s5 =	sld [smem:$0x3FFB];
	_ =	sdelay $0x3  }
0x94: {  	_ =	strace s5  }
0x95: {  	s5 =	sld [smem:$0x3FFC];
	_ =	sdelay $0x3  }
0x96: {  	_ =	strace s5  }
0x97: {  	s5 =	sld [smem:$0x3FFD];
	_ =	sdelay $0x3  }
0x98: {  	_ =	strace s5  }
0x99: {  	_ =	strace $0x8FFFFFFF  }
0x9a: {  	s20 =	sld [smem:$0x3FDB];
	_ =	sdelay $0x1  }
0x9b: {  	s6 =	simm.s32 $_scs_section_size  }
0x9c: {  	s7 =	simm.s32 $_size__tile_overlayer_lowered;
	s8 =	simm.s32 $_tile_overlayer_lowered  }
0x9d: {  	s23 =	simm.s32 $0x1BFF;
	s22 =	sshll.u32 s8, $0x1;
	s5 =	sadd.s32 s6, s20  }
0x9e: {  	s9 =	simm.s32 $0x0;
	s21 =	sshll.u32 s7, $0x1;
	s7 =	sadd.s32 s22, s5  }
0x9f: {  	[timem:s9], [sflag:s23] =	dma.local [hbm:s7], s21  }
0xa0: {  	_ =	swait.ge [sflag:s23], s21  }
0xa1: {  	s6 =	ssub.s32 $0x0, s21;
	[sflag:s23] =	ssyncset.done $0x0  }
0xa2: {  	[sflag:s23] =	ssyncadd.s32 s6;
	_ =	sdelay $0x1  }
0xa3: {  	s24 =	simm.s32 $0x1B8B  }
0xa4: {  	_ =	swait.ge [sflag:s24], $0x1  }
0xa5: {  	[sflag:s24] =	ssyncset.done $0x0  }
0xa6: {  	s25 =	simm.s32 $0x1B8E;
	[sflag:s24] =	ssyncadd.s32 $0xFFFFFFFF  }
0xa7: {  	s26 =	simm.s32 $execute0_lowered;
	[smem:$0x3FD2] =	sst s25  }
0xa8: {  	s6 =	sshll.u32 s26, $0x1;
	_ =	strace $0x80000046;
	[dreg:$0x1] =	wrdreg $0xFFFFFFFF  }
0xa9: {  	s28 =	simm.s32 $_size_execute0_lowered;
	s5 =	sadd.s32 s5, s6;
	[dreg:$0x0] =	wrdreg $0x0  }
0xaa: {  	s6 =	sshll.u32 s28, $0x1;
	[dreg:$0x2] =	wrdreg s5  }
0xab: {  	[dreg:$0x3] =	wrdreg s6  }
0xac: {  	[dreg:$0x4] =	wrdreg $0xC0  }
0xad: {  	_ =	task [dreg:s9], $0x5FFFF  }
0xae: {  	[dreg:$0x1] =	wrdreg $0xFFFFFFFF  }
0xaf: {  	[dreg:$0x0] =	wrdreg $0x60  }
0xb0: {  	[dreg:$0x2] =	wrdreg s2  }
0xb1: {  	[dreg:$0x3] =	wrdreg s19  }
0xb2: {  	[dreg:$0x4] =	wrdreg s4  }
0xb3: {  	[dreg:$0x5] =	wrdreg $0x89800  }
0xb4: {  	[dreg:$0x6] =	wrdreg $0x9  }
0xb5: {  	_ =	task.clear_ibuf [dreg:s9], $0x7FFFF;
	_ =	strace $0x90000046  }
0xb6: {  	s29 =	simm.s32 $0x9;
	_ =	strace $0x80000048  }
0xb7: {  	_ =	swait.ge [sflag:s29], $0x1  }
0xb8: {  	[sflag:s29] =	ssyncadd.s32 $0xFFFFFFFF  }
0xb9: {  	_ =	strace $0x90000048  }
0xba: {  	_ =	sfence  }
0xbb: {  	s30 =	sld [smem:$0x0];
	_ =	sdelay $0x2  }
0xbc: {  	s31 =	sshll.u32 s1, $0xD;
	s1 =	sshrl.u32 s1, $0x2  }
0xbd: {  	s3 =	sand.u32 $0x4000, s31;
	s1 =	sadd.s32 s1, s30  }
0xbe: {  	s0 =	sor.u32 s3, s0;
	s1 =	sshll.u32 s1, $0x11  }
0xbf: {  	s0 =	sor.u32 s1, s0  }
0xc0: {  	s0 =	sadd.s32 $0x8F2B, s0  }
0xc1: {  	[sflag:s0] =	ssyncadd.remote.s32 $0x1  }
0xc2: {  	_ =	sfence.sel $0xFFFF  }
0xc3: {  	[dreg:$0x0] =	wrdreg $0xFFFFFFFF;
	(pc) =	sbr.abs _section_cstart, $3  }
0xc4: {  	[dreg:$0x1] =	wrdreg $0xFFFFFFFF  }
0xc5: {  	_ =	task.clear_ibuf [dreg:s9], $0x2FFFF;
	_ =	strace $0x9FFFFFFF  }
0xc6: {  	(tm) =	ssettm $0x7FFFFFFF  }
0xc7: {  	_ =	shalt  }
tec
execute0_lowered:
.L_overlay_start_1:
0x0: {  	(tag) =	ssettag $0x1  }
0x1: {  	s0 =	rddreg [dreg:$0x0]  }
0x2: {  	s1 =	rddreg [dreg:$0x1]  }
0x3: {  	s2 =	rddreg [dreg:$0x2];
	s12 =	stileid.u32  }
0x4: {  	s4 =	srdreg.scid;
	s11 =	smul.u32 $0x50000, s12  }
0x5: {  	s3 =	rddreg [dreg:$0x3];
	s28 =	simm.s32 $0x4180;
	s15 =	smul.u32 $0x13C00, s12  }
0x6: {  	s29 =	simm.s32 $0x4;
	s5 =	sand.u32 $0x1, s4;
	s19 =	smul.u32 $0x4F000, s12  }
0x7: {  	s30 =	simm.s32 $0x80;
	s31 =	simm.s32 $0x1;
	s25 =	smul.u32 $0x138800, s5  }
0x8: {  	s4 =	simm.s32 $0x0;
	s6 =	sshll.u32 s5, $0x4;
	s20 =	smul.u32 $0x27100, s5  }
0x9: {  	s7 =	ssub.s32 $0x2, s5;
	s5 =	smul.u32 $0x271000, s5;
	s6 =	sor.u32 s12, s6  }
0xa: {  	p0 =	seq.s32 s12, $0xF;
	[smem:$0x7FF] =	sst s4;
	s10 =	smul.u32 $0x2710, s6  }
0xb: {  	s8 =	sshrl.u32 s7, $0x1;
	_ =	strace $0x80000047;
	s6 =	smul.u32 $0x27100, s6  }
0xc: {  	s24 =	sshrl.u32 s11, $0x2;
	s7 =	ssub.s32 s7, s8;
	s21 =	sshrl.u32 s10, $0x3  }
0xd: {  	s9 =	sadd.s32 $0x2700, s10;
	s6 =	sadd.s32 s0, s6;
	s26 =	sadd.s32 $0x80, s10  }
0xe: {  	s10 =	sadd.s32 s15, s25;
	s8 =	sadd.s32 s1, s21;
	[dreg:$0x6] =	wrdreg s6  }
0xf: {  	s22 =	sshrl.u32 s9, $0x3;
	s23 =	sshll.u32 s9, $0x4;
	s9 =	sadd.s32 s24, s3  }
0x10: {  	s18 =	sshrl.u32 s26, $0x3;
	[dreg:$0x5] =	wrdreg s8;
	s6 =	sadd.s32 s1, s22  }
0x11: {  	s10 =	sshrl.u32 s10, $0x3;
	s8 =	sadd.s32 $0x4000, s9;
	[dreg:$0x7] =	wrdreg s6  }
0x12: {  	s21 =	sshrl.u32 s19, $0x2;
	s16 =	sadd.s32 $0x8000, s9;
	[dreg:$0x9] =	wrdreg s8  }
0x13: {  	s17 =	sadd.s32 $0xC000, s9;
	s13 =	sadd.s32 $0x10000, s9;
	[dreg:$0xa] =	wrdreg s16  }
0x14: {  	s14 =	sadd.s32 s1, s18;
	s22 =	smul.u32 $0x2710, s12;
	[dreg:$0xb] =	wrdreg s17  }
0x15: {  	s18 =	smax.u32 s7, $0x1;
	s6 =	sadd.s32 s0, s23;
	[dreg:$0xc] =	wrdreg s13  }
0x16: {  	s8 =	sshll.u32 s26, $0x4;
	s16 =	sadd.s32 s2, s10;
	s10 =	sadd.s32 s21, s3  }
0x17: {  	s23 =	smul.u32 $0x27100, s12;
	[dreg:$0x8] =	wrdreg s6;
	s15 =	sadd.s32 s0, s8  }
0x18: {  	s6 =	sshrl.u32 s25, $0x3;
	s24 =	sadd.s32 s22, s20;
	s8 =	sadd.s32 $0x128400, s3  }
0x19: {  	s0 =	sadd.s32 s5, s0;
	s22 =	simm.s32 $0x180;
	s5 =	simm.s32 $0x3  }
0x1a: {  	s2 =	sadd.s32 s2, s6;
	s25 =	sadd.s32 $0x180, s24;
	s0 =	sadd.s32 s23, s0  }
0x1b: {  	s21 =	sadd.s32 $0x100, s24;
	s23 =	simm.s32 $0x100;
	s24 =	sshrl.u32 @p0 s8, $0x3  }
0x1c: {  	s6 =	simm.s32 $0x0;
	s17 =	sadd.s32 $0x25080, s2;
	s26 =	sshrl.u32 s25, $0x3  }
0x1d: {  	s11 =	sadd.s32 $0x1800, s0;
	s25 =	sshrl.u32 @!p0 s10, $0x3;
	s0 =	simm.s32 $0x5  }
0x1e: {  	v0 =	vimm.f32 $0.0e+00;
	s2 =	simm.s32 $0x2;
	s20 =	sadd.s32 s26, s1;
	s26 =	simm.s32 $0x8180  }
.LBB2_1:
0x1f: {  	s7 =	rddreg [dreg:$0x5]  }
0x20: {  	[tilespmem:s4], [sflag:$0x1] =	stream.linear.gather [hbm4b:s7+s4], $0x80, $0x38;
	[tilespmem:$0x1C980] =	vst v63  }
0x21: {  	s12 =	rddreg [dreg:$0x6]  }
0x22: {  	[tilespmem:s22], [sflag:$0x1] =	stream.linear.gather [hbm4b:s12+s4], $0x4000, $0x38;
	[tilespmem:$0x1C980] =	vst v63  }
0x23: {  	s13 =	rddreg [dreg:$0x7]  }
0x24: {  	[tilespmem:s23], [sflag:$0x3] =	stream.linear.gather [hbm4b:s13+s4], $0x10, $0x38;
	[tilespmem:$0x1C980] =	vst v63  }
0x25: {  	s19 =	rddreg [dreg:$0x8];
	s8 =	simm.s32 $0x200;
	s7 =	simm.s32 $0x0  }
0x26: {  	[tilespmem:s26], [sflag:$0x3] =	stream.linear.gather [hbm4b:s19+s4], $0x800, $0x38;
	[tilespmem:$0x1C980] =	vst v63  }
.LBB2_2:
0x27: {  	p1 =	sne.s32 s8, $0xFE00;
	[tilespmem:s7+$0x41F0] =	vst v0  }
0x28: {  	[tilespmem:s7+$0x4180] =	vst v0  }
0x29: {  	[tilespmem:s7+$0x4190] =	vst v0  }
.Ltmp0:
0x2a: {  	[tilespmem:s7+$0x41A0] =	vst v0;
	(pc) =	sbr.rel @p1 .LBB2_2-.Ltmp0, $4  }
0x2b: {  	[tilespmem:s7+$0x41B0] =	vst v0  }
0x2c: {  	[tilespmem:s7+$0x41C0] =	vst v0  }
0x2d: {  	[tilespmem:s7+$0x41D0] =	vst v0  }
0x2e: {  	[tilespmem:s7+$0x41E0] =	vst v0;
	s7 =	sshra.s32 s8, $0x2;
	s8 =	sadd.s32 $0x200, s8  }
0x2f: {  	[tilespmem:s7+$0x41F0] =	vst v0  }
0x30: {  	[tilespmem:s7+$0x4180] =	vst v0  }
0x31: {  	[tilespmem:s7+$0x4190] =	vst v0  }
0x32: {  	[tilespmem:s7+$0x41A0] =	vst v0  }
0x33: {  	[tilespmem:s7+$0x41B0] =	vst v0  }
0x34: {  	[tilespmem:s7+$0x41C0] =	vst v0  }
0x35: {  	[tilespmem:s7+$0x41D0] =	vst v0  }
0x36: {  	[tilespmem:s7+$0x41E0] =	vst v0  }
0x37: {  	[spmem:s9] =	stream.linear.scatter [tilespmem:s28], [sflag:$0x4], $0x4000, $0x38;
	[tilespmem:$0x1C980] =	vst v63  }
0x38: {  	s12 =	rddreg [dreg:$0x9]  }
0x39: {  	[spmem:s12] =	stream.linear.scatter [tilespmem:s28], [sflag:$0x4], $0x4000, $0x38;
	[tilespmem:$0x1C980] =	vst v63  }
0x3a: {  	s13 =	rddreg [dreg:$0xa]  }
0x3b: {  	[spmem:s13] =	stream.linear.scatter [tilespmem:s28], [sflag:$0x4], $0x4000, $0x38;
	[tilespmem:$0x1C980] =	vst v63  }
0x3c: {  	s19 =	rddreg [dreg:$0xb]  }
0x3d: {  	[spmem:s19] =	stream.linear.scatter [tilespmem:s28], [sflag:$0x4], $0x4000, $0x38;
	[tilespmem:$0x1C980] =	vst v63  }
0x3e: {  	s8 =	rddreg [dreg:$0xc]  }
0x3f: {  	[spmem:s8] =	stream.linear.scatter [tilespmem:s28], [sflag:$0x4], $0x4000, $0x38;
	[tilespmem:$0x1C980] =	vst v63  }
0x40: {  	_ =	swait.ge [sflag:s29], $0x4000  }
0x41: {  	[sflag:s29] =	ssyncset.done $0x0  }
0x42: {  	[sflag:s29] =	ssyncadd.s32 $0xFFFFC000  }
0x43: {  	_ =	swait.ge [sflag:s29], $0x4000  }
0x44: {  	[sflag:s29] =	ssyncset.done $0x0  }
0x45: {  	[sflag:s29] =	ssyncadd.s32 $0xFFFFC000  }
0x46: {  	_ =	swait.ge [sflag:s29], $0x4000  }
0x47: {  	[sflag:s29] =	ssyncset.done $0x0  }
0x48: {  	[sflag:s29] =	ssyncadd.s32 $0xFFFFC000  }
0x49: {  	_ =	swait.ge [sflag:s29], $0x4000  }
0x4a: {  	[sflag:s29] =	ssyncset.done $0x0  }
0x4b: {  	[sflag:s29] =	ssyncadd.s32 $0xFFFFC000  }
0x4c: {  	_ =	swait.ge [sflag:s29], $0x4000  }
0x4d: {  	[sflag:s29] =	ssyncset.done $0x0  }
0x4e: {  	s10 =	simm.s32 $0x0;
	[sflag:s29] =	ssyncadd.s32 $0xFFFFC000  }
0x4f: {  	[tilespmem:s30], [sflag:$0x2] =	stream.linear.gather [hbm4b:s14+s10], $0x80, $0x38;
	[tilespmem:$0x1C980] =	vst v63  }
0x50: {  	_ = 	snop  }
0x51: {  	[tilespmem:s28], [sflag:$0x2] =	stream.linear.gather [hbm4b:s15+s10], $0x4000, $0x38;
	[tilespmem:$0x1C980] =	vst v63  }
0x52: {  	[bflag:$0x0] =	sbarrier.arrive $0xFFFF  }
0x53: {  	_ =	swait.ge [sflag:s31], $0x80  }
0x54: {  	[sflag:s31] =	ssyncset.done $0x0  }
0x55: {  	[sflag:s31] =	ssyncadd.s32 $0xFFFFFF80  }
0x56: {  	_ =	swait.ge [sflag:s31], $0x4000  }
0x57: {  	[sflag:s31] =	ssyncset.done $0x0  }
0x58: {  	[sflag:s31] =	ssyncadd.s32 $0xFFFFC000  }
0x59: {  	[spmem:s3] =	stream.indirect.scatter.add.f32 [tilespmem:s22], [sflag:$0x5], $0x80, s4, s30, $0xb8;
	[tilespmem:$0x1C980] =	vst v63  }
0x5a: {  	_ =	swait.ge [sflag:s0], $0x4000  }
0x5b: {  	s12 =	sshrl.u32 s21, $0x3;
	[sflag:s0] =	ssyncset.done $0x0  }
0x5c: {  	s7 =	sadd.s32 s1, s12;
	[sflag:s0] =	ssyncadd.s32 $0xFFFFC000  }
0x5d: {  	[tilespmem:s4], [sflag:$0x1] =	stream.linear.gather [hbm4b:s7+s4], $0x80, $0x38;
	[tilespmem:$0x1C980] =	vst v63  }
0x5e: {  	s13 =	sadd.s32 $0xFFFFF800, s11  }
0x5f: {  	[tilespmem:s22], [sflag:$0x1] =	stream.linear.gather [hbm4b:s13+s4], $0x4000, $0x38;
	[tilespmem:$0x1C980] =	vst v63  }
0x60: {  	_ =	swait.ge [sflag:s2], $0x80  }
0x61: {  	[sflag:s2] =	ssyncset.done $0x0  }
0x62: {  	[sflag:s2] =	ssyncadd.s32 $0xFFFFFF80  }
0x63: {  	_ =	swait.ge [sflag:s2], $0x4000  }
0x64: {  	[sflag:s2] =	ssyncset.done $0x0  }
0x65: {  	[sflag:s2] =	ssyncadd.s32 $0xFFFFC000  }
0x66: {  	[spmem:s3] =	stream.indirect.scatter.add.f32 [tilespmem:s28], [sflag:$0x5], $0x80, s30, s30, $0xb8;
	[tilespmem:$0x1C980] =	vst v63  }
0x67: {  	_ =	swait.ge [sflag:s0], $0x4000  }
0x68: {  	[sflag:s0] =	ssyncset.done $0x0  }
0x69: {  	s19 =	sadd.s32 $0x0, s20;
	s8 =	sadd.s32 $0x1000, s11;
	[sflag:s0] =	ssyncadd.s32 $0xFFFFC000  }
0x6a: {  	[tilespmem:s30], [sflag:$0x2] =	stream.linear.gather [hbm4b:s19+s4], $0x80, $0x38;
	[tilespmem:$0x1C980] =	vst v63  }
0x6b: {  	s10 =	sadd.s32 $0x100, s21;
	s7 =	simm.s32 $0x20;
	s19 =	smov.u32 s11  }
.LBB2_4:
0x6c: {  	[tilespmem:s28], [sflag:$0x2] =	stream.linear.gather [hbm4b:s19+s4], $0x4000, $0x38;
	[tilespmem:$0x1C980] =	vst v63  }
0x6d: {  	s12 =	smov.u32 s7;
	s19 =	smov.u32 s8  }
0x6e: {  	p1 =	sne.s32 s7, $0x4A0;
	s7 =	sadd.s32 $0x20, s7;
	_ =	swait.ge [sflag:s31], $0x80  }
0x6f: {  	[sflag:s31] =	ssyncset.done $0x0  }
0x70: {  	[sflag:s31] =	ssyncadd.s32 $0xFFFFFF80  }
0x71: {  	_ =	swait.ge [sflag:s31], $0x4000  }
0x72: {  	[sflag:s31] =	ssyncset.done $0x0  }
0x73: {  	[sflag:s31] =	ssyncadd.s32 $0xFFFFC000  }
0x74: {  	[spmem:s3] =	stream.indirect.scatter.add.f32 [tilespmem:s22], [sflag:$0x5], $0x80, s4, s30, $0xb8;
	[tilespmem:$0x1C980] =	vst v63  }
0x75: {  	_ =	swait.ge [sflag:s0], $0x4000  }
0x76: {  	s13 =	sshrl.u32 s10, $0x3;
	[sflag:s0] =	ssyncset.done $0x0  }
0x77: {  	s13 =	sadd.s32 s1, s13;
	[sflag:s0] =	ssyncadd.s32 $0xFFFFC000  }
0x78: {  	[tilespmem:s4], [sflag:$0x1] =	stream.linear.gather [hbm4b:s13+s4], $0x80, $0x38;
	[tilespmem:$0x1C980] =	vst v63  }
0x79: {  	s13 =	sadd.s32 $0xFFFFF800, s8  }
0x7a: {  	[tilespmem:s22], [sflag:$0x1] =	stream.linear.gather [hbm4b:s13+s4], $0x4000, $0x38;
	[tilespmem:$0x1C980] =	vst v63  }
0x7b: {  	_ =	swait.ge [sflag:s2], $0x80  }
0x7c: {  	[sflag:s2] =	ssyncset.done $0x0  }
0x7d: {  	[sflag:s2] =	ssyncadd.s32 $0xFFFFFF80  }
0x7e: {  	_ =	swait.ge [sflag:s2], $0x4000  }
0x7f: {  	[sflag:s2] =	ssyncset.done $0x0  }
0x80: {  	[sflag:s2] =	ssyncadd.s32 $0xFFFFC000  }
0x81: {  	[spmem:s3] =	stream.indirect.scatter.add.f32 [tilespmem:s28], [sflag:$0x5], $0x80, s30, s30, $0xb8;
	[tilespmem:$0x1C980] =	vst v63  }
.Ltmp1:
0x82: {  	_ =	swait.ge [sflag:s0], $0x4000;
	(pc) =	sbr.rel @p1 .LBB2_4-.Ltmp1, $4  }
0x83: {  	[sflag:s0] =	ssyncset.done $0x0  }
0x84: {  	s12 =	sadd.s32 s12, s20;
	[sflag:s0] =	ssyncadd.s32 $0xFFFFC000  }
0x85: {  	[tilespmem:s30], [sflag:$0x2] =	stream.linear.gather [hbm4b:s12+s4], $0x80, $0x38;
	[tilespmem:$0x1C980] =	vst v63  }
0x86: {  	s10 =	sadd.s32 $0x100, s10;
	s8 =	sadd.s32 $0x1000, s8  }
0x87: {  	[tilespmem:s28], [sflag:$0x2] =	stream.linear.gather [hbm4b:s19+s4], $0x4000, $0x38;
	[tilespmem:$0x1C980] =	vst v63  }
0x88: {  	_ =	swait.ge [sflag:s31], $0x80  }
0x89: {  	[sflag:s31] =	ssyncset.done $0x0  }
0x8a: {  	[sflag:s31] =	ssyncadd.s32 $0xFFFFFF80  }
0x8b: {  	_ =	swait.ge [sflag:s31], $0x4000  }
0x8c: {  	[sflag:s31] =	ssyncset.done $0x0  }
0x8d: {  	[sflag:s31] =	ssyncadd.s32 $0xFFFFC000  }
0x8e: {  	[spmem:s3] =	stream.indirect.scatter.add.f32 [tilespmem:s22], [sflag:$0x5], $0x80, s4, s30, $0xb8;
	[tilespmem:$0x1C980] =	vst v63  }
0x8f: {  	_ =	swait.ge [sflag:s0], $0x4000  }
0x90: {  	[sflag:s0] =	ssyncset.done $0x0  }
0x91: {  	[sflag:s0] =	ssyncadd.s32 $0xFFFFC000  }
0x92: {  	_ =	swait.ge [sflag:s2], $0x80  }
0x93: {  	[sflag:s2] =	ssyncset.done $0x0  }
0x94: {  	[sflag:s2] =	ssyncadd.s32 $0xFFFFFF80  }
0x95: {  	_ =	swait.ge [sflag:s2], $0x4000  }
0x96: {  	[sflag:s2] =	ssyncset.done $0x0  }
0x97: {  	[sflag:s2] =	ssyncadd.s32 $0xFFFFC000  }
0x98: {  	[spmem:s3] =	stream.indirect.scatter.add.f32 [tilespmem:s28], [sflag:$0x5], $0x80, s30, s30, $0xb8;
	[tilespmem:$0x1C980] =	vst v63  }
0x99: {  	_ =	swait.ge [sflag:s0], $0x4000  }
0x9a: {  	[sflag:s0] =	ssyncset.done $0x0  }
0x9b: {  	[sflag:s0] =	ssyncadd.s32 $0xFFFFC000  }
0x9c: {  	_ =	swait.ge [sflag:s5], $0x10  }
0x9d: {  	[sflag:s5] =	ssyncset.done $0x0  }
0x9e: {  	[sflag:s5] =	ssyncadd.s32 $0xFFFFFFF0  }
0x9f: {  	_ =	swait.ge [sflag:s5], $0x800  }
0xa0: {  	[sflag:s5] =	ssyncset.done $0x0  }
0xa1: {  	s7 =	simm.s32 $0x10;
	[sflag:s5] =	ssyncadd.s32 $0xFFFFF800  }
0xa2: {  	[spmem:s3] =	stream.indirect.scatter.add.f32 [tilespmem:s26], [sflag:$0x5], $0x80, s23, s7, $0xb8;
	[tilespmem:$0x1C980] =	vst v63  }
0xa3: {  	_ =	swait.ge [sflag:s0], $0x800  }
0xa4: {  	[sflag:s0] =	ssyncset.done $0x0  }
0xa5: {  	[sflag:s0] =	ssyncadd.s32 $0xFFFFF800  }
0xa6: {  	s7 =	simm.s32 @p0 $0x1FC5;
	[bflag:$0x0] =	sbarrier.arrive $0xFFFF  }
0xa7: {  	[hbm:s17], [sflag:s7] =	dma.local @p0 [spmem:s24], $0x2080  }
0xa8: {  	s7 =	simm.s32 @p0 $0x5  }
0xa9: {  	s8 =	stileid.u32;
	_ =	swait.ge @p0 [sflag:s7], $0x2080  }
0xaa: {  	s6 =	sadd.s32 $0x1, s6;
	s8 =	sshll.u32 @!p0 s8, $0x6;
	[sflag:s7] =	ssyncset.done @p0 $0x0  }
0xab: {  	p1 =	sne.s32 s6, s18;
	[sflag:s7] =	ssyncadd.s32 @p0 $0xFFFFDF80;
	s7 =	sor.u32 @!p0 $0x1C05, s8  }
0xac: {  	[hbm:s16], [sflag:s7] =	dma.local @!p0 [spmem:s25], $0x2780  }
.Ltmp2:
0xad: {  	_ = 	snop;
	(pc) =	sbr.rel @p1 .LBB2_1-.Ltmp2, $4  }
0xae: {  	s7 =	simm.s32 @!p0 $0x5  }
0xaf: {  	_ =	swait.ge @!p0 [sflag:s7], $0x2780  }
0xb0: {  	[sflag:s7] =	ssyncset.done @!p0 $0x0  }
0xb1: {  	[sflag:s7] =	ssyncadd.s32 @!p0 $0xFFFFD880  }
0xb2: {  	_ =	sfence.sel $0x180000  }
0xb3: {  	[bflag:$0x0] =	sbarrier.arrive $0xFFFF  }
0xb4: {  	_ =	strace $0x90000047  }
0xb5: {  	s0 =	stileid.u32;
	[bflag:$0x2] =	sbarrier.arrive $0xFFFF  }
0xb6: {  	p0 =	sne.s32 s0, $0x0;
	s0 =	rddreg [dreg:$0x4]  }
0xb7: {  	s0 =	sadd.s32 @!p0 $0x100000, s0  }
0xb8: {  	[sflag:s0] =	ssyncadd.tile.s32 @!p0 $0x1;
	_ =	shalt  }
.Lfunc_end2:
_tile_overlayer_lowered:
.L_overlay_start_2:
0xb9: {  	(tag) =	ssettag $0x2  }
0xba: {  	s0 =	rddreg [dreg:$0x0];
	s2 =	stileid.u32  }
0xbb: {  	s1 =	rddreg [dreg:$0x1];
	p0 =	sne.s32 s2, $0x0  }
0xbc: {  	s3 =	rddreg [dreg:$0x2];
	[bflag:$0x3] =	sbarrier.arrive $0xFFFF;
	s2 =	simm.s32 @!p0 $0x1C05  }
0xbd: {  	[timem:s3], [sflag:s2] =	dma.local @!p0 [hbm:s0], s1  }
0xbe: {  	s0 =	simm.s32 @!p0 $0x5  }
0xbf: {  	_ =	swait.ge @!p0 [sflag:s0], s1  }
0xc0: {  	s1 =	ssub.s32 @!p0 $0x0, s1;
	[sflag:s0] =	ssyncset.done @!p0 $0x0  }
0xc1: {  	[sflag:s0] =	ssyncadd.s32 @!p0 s1  }
0xc2: {  	[bflag:$0x3] =	sbarrier.arrive $0xFFFF  }
0xc3: {  	_ =	shalt  }

</sc_bundles>
